<compile_context>
chip_gen: v7x
topology: tpu7x:2x2x1
jax: 0.10.2.dev20260603
libtpu: 0.0.44.dev20260713+nightly
codegen_flags: <defaults>
</compile_context>

<pallas_src>
import functools

import jax
import jax.numpy as jnp
from jax import lax
from jax.experimental import pallas as pl
from jax.experimental.pallas import tpu as pltpu
from jax.experimental.pallas import tpu_sc as plsc

VOCAB_N = 1000000
EMB_D = 64
OUT_D = 16
SEQ = 200
BATCH_N = 4096

NUM_CORES = 2
NUM_SUBCORES = 16
NW = NUM_CORES * NUM_SUBCORES
COLS_PER_W = BATCH_N // NW
CHUNK_COLS = 16
N_CHUNKS = COLS_PER_W // CHUNK_COLS
SEQ_PAD = 200
ROWS_PER_CHUNK = CHUNK_COLS * SEQ_PAD

SLAB = 131072
PROJ_BLK = 2048
N_PROJ_STEPS = SLAB // PROJ_BLK
TAB_ROWS = 8 * SLAB
LAST_EMB_BLK = (VOCAB_N - 1) // PROJ_BLK


def _proj_body(*refs):
    wt8t_ref = refs[8]
    out_ref = refs[9]
    stacked = jnp.concatenate([refs[k][...] for k in range(8)], axis=0)
    qt = jax.lax.dot_general(
        wt8t_ref[...],
        stacked,
        dimension_numbers=(((1,), (0,)), ((), ())),
        preferred_element_type=jnp.float32,
    )
    out_ref[...] = qt.T


def _slab_spec(k):
    return pl.BlockSpec(
        (EMB_D, PROJ_BLK),
        lambda i, k=k: (0, jnp.minimum(N_PROJ_STEPS * k + i, LAST_EMB_BLK)),
    )


@jax.jit
def _project(embt, wt8):
    packed = pl.pallas_call(
        _proj_body,
        grid=(N_PROJ_STEPS,),
        in_specs=[_slab_spec(k) for k in range(8)]
        + [pl.BlockSpec((128, 8 * EMB_D), lambda i: (0, 0))],
        out_specs=pl.BlockSpec((PROJ_BLK, 128), lambda i: (i, 0)),
        out_shape=jax.ShapeDtypeStruct((SLAB, 128), jnp.float32),
    )(*([embt] * 8), wt8)
    return packed.reshape(TAB_ROWS, OUT_D)


def _sc_body(
    text_hbm, tab_hbm, b_hbm, out_hbm,
    idx0, idx1, rows0, rows1, st0, st1, b_v, sem0, sem1,
):
    wid = lax.axis_index("s") * NUM_CORES + lax.axis_index("c")
    pltpu.sync_copy(b_hbm, b_v)
    bias = b_v[...]
    idx = (idx0, idx1)
    rows = (rows0, rows1)
    st = (st0, st1)
    sem = (sem0, sem1)

    def fire(g, buf):
        pltpu.sync_copy(text_hbm.at[wid * N_CHUNKS + g], idx[buf])
        return pltpu.async_copy(tab_hbm.at[idx[buf]], rows[buf], sem[buf])

    def drain(g, buf, cp):
        cp.wait()
        rv = rows[buf]

        def col_body(c, _):
            base = c * SEQ_PAD
            z = jnp.zeros((OUT_D,), jnp.float32)

            @plsc.parallel_loop(0, SEQ_PAD, 8, unroll=5, carry=(z,) * 8)
            def accs(r, a):
                i = base + r
                return tuple(a[j] + rv[i + j] for j in range(8))

            s = accs
            s4 = (s[0] + s[1], s[2] + s[3], s[4] + s[5], s[6] + s[7])
            st[buf][c] = ((s4[0] + s4[1]) + (s4[2] + s4[3])) + bias
            return 0

        lax.fori_loop(0, CHUNK_COLS, col_body, 0)
        pltpu.sync_copy(
            st[buf],
            out_hbm.at[pl.ds(wid * COLS_PER_W + g * CHUNK_COLS, CHUNK_COLS)],
        )

    cp = fire(0, 0)
    for g in range(N_CHUNKS):
        nxt = None
        if g + 1 < N_CHUNKS:
            nxt = fire(g + 1, (g + 1) % 2)
        drain(g, g % 2, cp)
        cp = nxt


@jax.jit
def _sc_pool(text3, table, b):
    mesh = plsc.VectorSubcoreMesh(
        core_axis_name="c", subcore_axis_name="s", num_cores=NUM_CORES
    )
    run = functools.partial(
        pl.kernel,
        out_type=jax.ShapeDtypeStruct((BATCH_N, OUT_D), jnp.float32),
        mesh=mesh,
        scratch_types=[
            pltpu.VMEM((ROWS_PER_CHUNK,), jnp.int32),
            pltpu.VMEM((ROWS_PER_CHUNK,), jnp.int32),
            pltpu.VMEM((ROWS_PER_CHUNK, OUT_D), jnp.float32),
            pltpu.VMEM((ROWS_PER_CHUNK, OUT_D), jnp.float32),
            pltpu.VMEM((CHUNK_COLS, OUT_D), jnp.float32),
            pltpu.VMEM((CHUNK_COLS, OUT_D), jnp.float32),
            pltpu.VMEM((OUT_D,), jnp.float32),
            pltpu.SemaphoreType.DMA,
            pltpu.SemaphoreType.DMA,
        ],
        compiler_params=pltpu.CompilerParams(use_tc_tiling_on_sc=False),
    )(_sc_body)
    return run(text3, table, b)


def kernel(text, emb, W, b):
    wt = (W.T * (1.0 / SEQ)).astype(jnp.float32)
    wt8 = jax.scipy.linalg.block_diag(*([wt] * 8))
    table = _project(emb.T, wt8.T)
    ti = text.astype(jnp.int32)
    ti = (ti & (SLAB - 1)) * 8 + (ti >> 17)
    textT = jnp.transpose(ti)
    text3 = textT.reshape(BATCH_N // CHUNK_COLS, ROWS_PER_CHUNK)
    return _sc_pool(text3, table, b)

# --- scband reference (transcript-rebuilt; emitter-appended) ---
"""Pipeline reference for scband-fast-text-7413113553294 (READ-ONLY COPY).

The authoritative reference and input builder live on the scoring server;
editing this copy changes nothing except your own understanding.
"""

import jax, jax.numpy as jnp
import numpy as np

VOCAB = 1000000
EMBED_DIM = 64
OUTPUT_DIM = 16
PAD_IDX = 0
SEQ_LEN = 200
BATCH = 4096


def setup_inputs(seed: int = 0) -> dict:
    key = jax.random.key(seed)
    k_text, k_emb, k_w, k_b = jax.random.split(key, 4)
    text = jax.random.randint(k_text, (SEQ_LEN, BATCH), 0, VOCAB, dtype=jnp.int64 if jax.config.jax_enable_x64 else jnp.int32)
    emb = jax.random.normal(k_emb, (VOCAB, EMBED_DIM), dtype=jnp.float32) * 0.02
    emb = emb.at[PAD_IDX].set(0.0)  # padding_idx row is zero
    W = jax.random.normal(k_w, (OUTPUT_DIM, EMBED_DIM), dtype=jnp.float32) * (1.0 / np.sqrt(EMBED_DIM))
    b = jnp.zeros((OUTPUT_DIM,), dtype=jnp.float32)
    return {"text": text, "emb": emb, "W": W, "b": b}


def reference(text, emb, W, b):
    # embedded = self.embedding(text) -> [seq_len, batch, dim]
    embedded = jnp.take(emb, text, axis=0)
    # embedded.permute(1, 0, 2) -> [batch, seq_len, dim]
    embedded = jnp.transpose(embedded, (1, 0, 2))
    # avg_pool2d over (seq_len, 1) then squeeze -> mean over seq axis: [batch, dim]
    pooled = jnp.mean(embedded, axis=1)
    # fc
    return pooled @ W.T + b

if __name__ == "__main__":
    import jax
    _d = setup_inputs()
    print(jax.jit(kernel)(*tuple(_d.values())))

</pallas_src>

<mosaic_0001>
module attributes {stable_mosaic.version = 14 : i64} {
  func.func @_proj_body(%arg0: i32, %arg1: memref<64x2048xf32, #tpu.memory_space<vmem>>, %arg2: memref<64x2048xf32, #tpu.memory_space<vmem>>, %arg3: memref<64x2048xf32, #tpu.memory_space<vmem>>, %arg4: memref<64x2048xf32, #tpu.memory_space<vmem>>, %arg5: memref<64x2048xf32, #tpu.memory_space<vmem>>, %arg6: memref<64x2048xf32, #tpu.memory_space<vmem>>, %arg7: memref<64x2048xf32, #tpu.memory_space<vmem>>, %arg8: memref<64x2048xf32, #tpu.memory_space<vmem>>, %arg9: memref<128x512xf32, #tpu.memory_space<vmem>>, %arg10: memref<2048x128xf32, #tpu.memory_space<vmem>>) attributes {dimension_semantics = [#tpu.dimension_semantics<arbitrary>], iteration_bounds = array<i64: 64>, scalar_prefetch = 0 : i64, scratch_operands = 0 : i64, tpu.core_type = #tpu.core_type<tc>, window_params = [{transform_indices = @transform_0, window_bounds = array<i64: 64, 2048>}, {transform_indices = @transform_1, window_bounds = array<i64: 64, 2048>}, {transform_indices = @transform_2, window_bounds = array<i64: 64, 2048>}, {transform_indices = @transform_3, window_bounds = array<i64: 64, 2048>}, {transform_indices = @transform_4, window_bounds = array<i64: 64, 2048>}, {transform_indices = @transform_5, window_bounds = array<i64: 64, 2048>}, {transform_indices = @transform_6, window_bounds = array<i64: 64, 2048>}, {transform_indices = @transform_7, window_bounds = array<i64: 64, 2048>}, {pipeline_mode = #tpu.pipeline_mode<synchronous>, transform_indices = @transform_8, window_bounds = array<i64: 128, 512>}, {transform_indices = @transform_9, window_bounds = array<i64: 2048, 128>}]} {
    %get3A = arith.constant 0 : index
    %get3A_0 = arith.constant 0 : index
    %get3A_1 = vector.load %arg1[%get3A, %get3A_0] : memref<64x2048xf32, #tpu.memory_space<vmem>>, vector<64x2048xf32>
    %get3A_2 = arith.constant 0 : index
    %get3A_3 = arith.constant 0 : index
    %get3A_4 = vector.load %arg2[%get3A_2, %get3A_3] : memref<64x2048xf32, #tpu.memory_space<vmem>>, vector<64x2048xf32>
    %get3A_5 = arith.constant 0 : index
    %get3A_6 = arith.constant 0 : index
    %get3A_7 = vector.load %arg3[%get3A_5, %get3A_6] : memref<64x2048xf32, #tpu.memory_space<vmem>>, vector<64x2048xf32>
    %get3A_8 = arith.constant 0 : index
    %get3A_9 = arith.constant 0 : index
    %get3A_10 = vector.load %arg4[%get3A_8, %get3A_9] : memref<64x2048xf32, #tpu.memory_space<vmem>>, vector<64x2048xf32>
    %get3A_11 = arith.constant 0 : index
    %get3A_12 = arith.constant 0 : index
    %get3A_13 = vector.load %arg5[%get3A_11, %get3A_12] : memref<64x2048xf32, #tpu.memory_space<vmem>>, vector<64x2048xf32>
    %get3A_14 = arith.constant 0 : index
    %get3A_15 = arith.constant 0 : index
    %get3A_16 = vector.load %arg6[%get3A_14, %get3A_15] : memref<64x2048xf32, #tpu.memory_space<vmem>>, vector<64x2048xf32>
    %get3A_17 = arith.constant 0 : index
    %get3A_18 = arith.constant 0 : index
    %get3A_19 = vector.load %arg7[%get3A_17, %get3A_18] : memref<64x2048xf32, #tpu.memory_space<vmem>>, vector<64x2048xf32>
    %get3A_20 = arith.constant 0 : index
    %get3A_21 = arith.constant 0 : index
    %get3A_22 = vector.load %arg8[%get3A_20, %get3A_21] : memref<64x2048xf32, #tpu.memory_space<vmem>>, vector<64x2048xf32>
    %concatenate3A = tpu.concatenate %get3A_1, %get3A_4, %get3A_7, %get3A_10, %get3A_13, %get3A_16, %get3A_19, %get3A_22 in 0 : vector<64x2048xf32>, vector<64x2048xf32>, vector<64x2048xf32>, vector<64x2048xf32>, vector<64x2048xf32>, vector<64x2048xf32>, vector<64x2048xf32>, vector<64x2048xf32> -> vector<512x2048xf32>
    %get3A_23 = arith.constant 0 : index
    %get3A_24 = arith.constant 0 : index
    %get3A_25 = vector.load %arg9[%get3A_23, %get3A_24] : memref<128x512xf32, #tpu.memory_space<vmem>>, vector<128x512xf32>
    %dot_general3A = arith.constant dense<0.000000e+00> : vector<128x2048xf32>
    %dot_general3A_26 = tpu.matmul %get3A_25, %concatenate3A, %dot_general3A {dimension_numbers = #tpu.dot_dimension_numbers<[1], [0], [0], [1], [0, 0, 1, 1], [], []>, transpose_lhs_hint = false} : vector<128x512xf32>, vector<512x2048xf32>, vector<128x2048xf32> -> vector<128x2048xf32>
    %transpose3A = tpu.transpose %dot_general3A_26, [1, 0] : vector<128x2048xf32> -> vector<2048x128xf32>
    %swap3A = arith.constant 0 : index
    %swap3A_27 = arith.constant 0 : index
    %swap3A_28 = vector.load %arg10[%swap3A, %swap3A_27] : memref<2048x128xf32, #tpu.memory_space<vmem>>, vector<2048x128xf32>
    tpu.vector_store %arg10[%swap3A, %swap3A_27], %transpose3A {strides = array<i32>} : memref<2048x128xf32, #tpu.memory_space<vmem>>, vector<2048x128xf32>,
    return
  }
  func.func @transform_0(%arg0: i32) -> (i32, i32) {
    %add3A = arith.constant 0 : i32
    %add3A_0 = arith.addi %add3A, %arg0 : i32
    %min3A = arith.constant 488 : i32
    %min3A_1 = arith.minsi %add3A_0, %min3A : i32
    %c0_i32 = arith.constant 0 : i32
    %c0_i32_2 = arith.constant 0 : i32
    return %c0_i32, %min3A_1 : i32, i32
  }
  func.func @transform_1(%arg0: i32) -> (i32, i32) {
    %add3A = arith.constant 64 : i32
    %add3A_0 = arith.addi %add3A, %arg0 : i32
    %min3A = arith.constant 488 : i32
    %min3A_1 = arith.minsi %add3A_0, %min3A : i32
    %c0_i32 = arith.constant 0 : i32
    %c0_i32_2 = arith.constant 0 : i32
    return %c0_i32, %min3A_1 : i32, i32
  }
  func.func @transform_2(%arg0: i32) -> (i32, i32) {
    %add3A = arith.constant 128 : i32
    %add3A_0 = arith.addi %add3A, %arg0 : i32
    %min3A = arith.constant 488 : i32
    %min3A_1 = arith.minsi %add3A_0, %min3A : i32
    %c0_i32 = arith.constant 0 : i32
    %c0_i32_2 = arith.constant 0 : i32
    return %c0_i32, %min3A_1 : i32, i32
  }
  func.func @transform_3(%arg0: i32) -> (i32, i32) {
    %add3A = arith.constant 192 : i32
    %add3A_0 = arith.addi %add3A, %arg0 : i32
    %min3A = arith.constant 488 : i32
    %min3A_1 = arith.minsi %add3A_0, %min3A : i32
    %c0_i32 = arith.constant 0 : i32
    %c0_i32_2 = arith.constant 0 : i32
    return %c0_i32, %min3A_1 : i32, i32
  }
  func.func @transform_4(%arg0: i32) -> (i32, i32) {
    %add3A = arith.constant 256 : i32
    %add3A_0 = arith.addi %add3A, %arg0 : i32
    %min3A = arith.constant 488 : i32
    %min3A_1 = arith.minsi %add3A_0, %min3A : i32
    %c0_i32 = arith.constant 0 : i32
    %c0_i32_2 = arith.constant 0 : i32
    return %c0_i32, %min3A_1 : i32, i32
  }
  func.func @transform_5(%arg0: i32) -> (i32, i32) {
    %add3A = arith.constant 320 : i32
    %add3A_0 = arith.addi %add3A, %arg0 : i32
    %min3A = arith.constant 488 : i32
    %min3A_1 = arith.minsi %add3A_0, %min3A : i32
    %c0_i32 = arith.constant 0 : i32
    %c0_i32_2 = arith.constant 0 : i32
    return %c0_i32, %min3A_1 : i32, i32
  }
  func.func @transform_6(%arg0: i32) -> (i32, i32) {
    %add3A = arith.constant 384 : i32
    %add3A_0 = arith.addi %add3A, %arg0 : i32
    %min3A = arith.constant 488 : i32
    %min3A_1 = arith.minsi %add3A_0, %min3A : i32
    %c0_i32 = arith.constant 0 : i32
    %c0_i32_2 = arith.constant 0 : i32
    return %c0_i32, %min3A_1 : i32, i32
  }
  func.func @transform_7(%arg0: i32) -> (i32, i32) {
    %add3A = arith.constant 448 : i32
    %add3A_0 = arith.addi %add3A, %arg0 : i32
    %min3A = arith.constant 488 : i32
    %min3A_1 = arith.minsi %add3A_0, %min3A : i32
    %c0_i32 = arith.constant 0 : i32
    %c0_i32_2 = arith.constant 0 : i32
    return %c0_i32, %min3A_1 : i32, i32
  }
  func.func @transform_8(%arg0: i32) -> (i32, i32) {
    %c0_i32 = arith.constant 0 : i32
    %c0_i32_0 = arith.constant 0 : i32
    %c0_i32_1 = arith.constant 0 : i32
    return %c0_i32, %c0_i32_0 : i32, i32
  }
  func.func @transform_9(%arg0: i32) -> (i32, i32) {
    %c0_i32 = arith.constant 0 : i32
    %c0_i32_0 = arith.constant 0 : i32
    return %arg0, %c0_i32 : i32, i32
  }
}

</mosaic_0001>

<sc_bundles>
// kernel: sparse-core-data-format-call.cloned.1.call-start
scs
called_computation_lowered:
.L_overlay_start_0:
0x0: {  	s2 =	sld [smem:$0x3FD9]  }
0x1: {  	s3 =	sld [smem:$0x3FFE];
	_ =	sdelay $0x1  }
0x2: {  	s1 =	srdreg.scid  }
0x3: {  	s0 =	sand.u32 $0x1, s1  }
0x4: {  	s18 =	sshll.u32 s0, $0xA;
	s2 =	sadd.s32 s3, s2  }
0x5: {  	s2 =	sadd.s32 s2, s18  }
0x6: {  	[smem:$0x3FC6] =	sst s2  }
0x7: {  	_ = 	snop  }
0x8: {  	s2 =	sld [smem:$0x3FD0];
	(tm) =	ssettm $0x1  }
0x9: {  	s19 =	sld [smem:$0x3FFB];
	_ =	sdelay $0x3  }
0xa: {  	_ =	strace s19  }
0xb: {  	s3 =	sld [smem:$0x3FFC];
	_ =	sdelay $0x3  }
0xc: {  	_ =	strace s3  }
0xd: {  	s3 =	sld [smem:$0x3FFD];
	_ =	sdelay $0x3  }
0xe: {  	_ =	strace s3  }
0xf: {  	_ =	strace $0x8FFFFFFF  }
0x10: {  	s20 =	sld [smem:$0x3FDB];
	_ =	sdelay $0x1  }
0x11: {  	s4 =	simm.s32 $_scs_section_size  }
0x12: {  	s5 =	simm.s32 $_size__tile_overlayer_lowered;
	s6 =	simm.s32 $_tile_overlayer_lowered  }
0x13: {  	s23 =	simm.s32 $0x1BFF;
	s22 =	sshll.u32 s6, $0x1;
	s3 =	sadd.s32 s4, s20  }
0x14: {  	s7 =	simm.s32 $0x0;
	s21 =	sshll.u32 s5, $0x1;
	s5 =	sadd.s32 s22, s3  }
0x15: {  	[timem:s7], [sflag:s23] =	dma.local [hbm:s5], s21  }
0x16: {  	_ =	swait.ge [sflag:s23], s21  }
0x17: {  	s4 =	ssub.s32 $0x0, s21;
	[sflag:s23] =	ssyncset.done $0x0  }
0x18: {  	[sflag:s23] =	ssyncadd.s32 s4;
	_ =	sdelay $0x1  }
0x19: {  	s24 =	simm.s32 $0x1B8B  }
0x1a: {  	_ =	swait.ge [sflag:s24], $0x1  }
0x1b: {  	[sflag:s24] =	ssyncset.done $0x0  }
0x1c: {  	s26 =	simm.s32 $0x1B8E;
	s25 =	sld [smem:$0x3FFE];
	[sflag:s24] =	ssyncadd.s32 $0xFFFFFFFF  }
0x1d: {  	s27 =	simm.s32 $execute0_lowered;
	[smem:$0x3FD2] =	sst s26  }
0x1e: {  	s5 =	sshll.u32 s27, $0x1;
	_ =	strace $0x80000046;
	[dreg:$0x1] =	wrdreg $0xFFFFFFFF  }
0x1f: {  	s28 =	simm.s32 $_size_execute0_lowered;
	s3 =	sadd.s32 s3, s5;
	[dreg:$0x0] =	wrdreg $0x0  }
0x20: {  	s5 =	sshll.u32 s28, $0x1;
	[dreg:$0x2] =	wrdreg s3  }
0x21: {  	[dreg:$0x3] =	wrdreg s5  }
0x22: {  	[dreg:$0x4] =	wrdreg $0xC0  }
0x23: {  	_ =	task [dreg:s7], $0x5FFFF  }
0x24: {  	[dreg:$0x1] =	wrdreg $0xFFFFFFFF  }
0x25: {  	[dreg:$0x0] =	wrdreg $0x60  }
0x26: {  	[dreg:$0x2] =	wrdreg s25  }
0x27: {  	[dreg:$0x3] =	wrdreg s2  }
0x28: {  	[dreg:$0x4] =	wrdreg $0x9  }
0x29: {  	_ =	task.clear_ibuf [dreg:s7], $0x5FFFF;
	_ =	strace $0x90000046  }
0x2a: {  	s29 =	simm.s32 $0x9;
	_ =	strace $0x80000048  }
0x2b: {  	_ =	swait.ge [sflag:s29], $0x1  }
0x2c: {  	[sflag:s29] =	ssyncadd.s32 $0xFFFFFFFF  }
0x2d: {  	_ =	strace $0x90000048  }
0x2e: {  	_ =	sfence  }
0x2f: {  	s30 =	sld [smem:$0x0];
	_ =	sdelay $0x2  }
0x30: {  	s31 =	sshll.u32 s1, $0xD;
	s1 =	sshrl.u32 s1, $0x2  }
0x31: {  	s3 =	sand.u32 $0x4000, s31;
	s1 =	sadd.s32 s1, s30  }
0x32: {  	s0 =	sor.u32 s3, s0;
	s1 =	sshll.u32 s1, $0x11  }
0x33: {  	s0 =	sor.u32 s1, s0  }
0x34: {  	s0 =	sadd.s32 $0x8F2B, s0  }
0x35: {  	[sflag:s0] =	ssyncadd.remote.s32 $0x1  }
0x36: {  	_ =	sfence.sel $0xFFFF  }
0x37: {  	[dreg:$0x0] =	wrdreg $0xFFFFFFFF;
	(pc) =	sbr.abs _section_cstart, $3  }
0x38: {  	[dreg:$0x1] =	wrdreg $0xFFFFFFFF  }
0x39: {  	_ =	task.clear_ibuf [dreg:s7], $0x2FFFF;
	_ =	strace $0x9FFFFFFF  }
0x3a: {  	(tm) =	ssettm $0x7FFFFFFF  }
0x3b: {  	_ =	shalt  }
tec
execute0_lowered:
.L_overlay_start_1:
0x0: {  	(tag) =	ssettag $0x1  }
0x1: {  	s0 =	srdreg.scid  }
0x2: {  	s1 =	sshll.u32 s0, $0x4  }
0x3: {  	s4 =	rddreg [dreg:$0x0];
	s0 =	stileid.u32;
	s1 =	sand.u32 $0x10, s1  }
0x4: {  	s2 =	rddreg [dreg:$0x1];
	s7 =	simm.s32 $0x1;
	s1 =	sor.u32 s0, s1  }
0x5: {  	s8 =	simm.s32 $0x2;
	s11 =	simm.s32 $0x0;
	s3 =	sshll.u32 s1, $0x7  }
0x6: {  	s10 =	simm.s32 $0x0;
	s4 =	sadd.s32 $0x600, s4;
	s6 =	ssub.s32 $0x100000, s3  }
.Ltmp0:
0x7: {  	s1 =	rddreg [dreg:$0x2];
	s5 =	sand.u32 $0xF80, s6;
	(pc) =	sbr.rel .LBB1_1-.Ltmp0, $4  }
0x8: {  	_ =	strace $0x80000047;
	s9 =	smov.u32 s3;
	p0 =	sne.s32 s5, $0x0  }
0x9: {  	s6 =	sshrl.u32 s6, $0xC;
	s5 =	simm.s32 $0x1;
	s7 =	simm.s32 @!p0 $0x0  }
0xa: {  	[sflag:s5] =	ssyncpa.u1 $0x0;
	p0 =	por $0x0, $0x0;
	s6 =	sadd.s32 s7, s6  }
0xb: {  	[sflag:s8] =	ssyncpa.u1 $0x0;
	s8 =	simm.s32 $0x800000;
	s7 =	sadd.s32 $0x1, s6  }
.LBB1_4:
0xc: {  	[tilespmem:s12+$0xFFFFFFFC ss:$0x81] =	vst.msk $0xffff, v2;
	s14 =	sshll.u32 s11, $0x3  }
0xd: {  	[tilespmem:s12+$0xFFFFFFFD ss:$0x81] =	vst.msk $0xffff, v3;
	s15 =	sand.u32 $0x78, s11;
	s14 =	sand.u32 $0xFFC00, s14  }
0xe: {  	[tilespmem:s12+$0xFFFFFFFE ss:$0x81] =	vst.msk $0xffff, v1;
	s29 =	sand.u32 $0x1E0000, s11;
	s30 =	sand.u32 $0x7, s11;
	s14 =	sor.u32 s15, s14  }
0xf: {  	[tilespmem:s12+$0xFFFFFFFF ss:$0x81] =	vst.msk $0xffff, v4;
	s11 =	sshll.u32 s30, $0x12;
	s15 =	sadd.s32 s2, s29;
	s14 =	sshrl.u32 s14, $0x3  }
0x10: {  	[tilespmem:s12+$0xFFFFFFF9 ss:$0x81] =	vst.msk $0xffff, v0;
	s11 =	sor.u32 $0x400, s11;
	s31 =	sadd.s32 s14, s15  }
0x11: {  	[hbm4b:s31+s11] =	stream.strided.scatter [tilespmem:s13], [sflag:$0x2], $0x800, s8, s11, $0x20;
	[tilespmem:$0x2020] =	vst v63  }
.LBB1_5:
0x12: {  	s13 =	sadd.s32 $0x1000, s9  }
0x13: {  	p2 =	sgt.s32 s13, $0xFFFFF  }
0x14: {  	s13 =	smov.u32 @p2 s3;
	p2 =	sne.s32 s10, s7  }
.Ltmp1:
0x15: {  	p1 =	slt.u32 s10, $0x2;
	(pc) =	sbr.rel @!p2 .LBB1_6-.Ltmp1, $4  }
0x16: {  	s12 =	simm.s32 @!p1 $0x2  }
0x17: {  	s14 =	sadd.s32 $0x1, s10;
	_ =	swait.ge @!p1 [sflag:s12], $0x800  }
0x18: {  	s11 =	smov.u32 s9;
	p0 =	por !p0, !p0;
	[sflag:s12] =	ssyncset.done @!p1 $0x0  }
0x19: {  	s10 =	smov.u32 s14;
	s9 =	smov.u32 s13;
	[sflag:s12] =	ssyncadd.s32 @!p1 $0xFFFFF800  }
.LBB1_1:
0x1a: {  	p1 =	sge.u32 s10, s6  }
0x1b: {  	s31 =	sadd.s32 $0xFFFFFFFF, s10;
	s12 =	sxor.u32 @!p1 $0xFFFFFFFF, s10;
	s13 =	sshll.u32 @!p1 s9, $0x4  }
0x1c: {  	s14 =	simm.s32 @!p1 $0x10;
	s12 =	sshll.u32 @!p1 s12, $0xB;
	s13 =	sand.u32 @!p1 $0xFFFFF0, s13  }
0x1d: {  	s15 =	simm.s32 @!p1 $0x80;
	s12 =	sand.u32 @!p1 $0x800, s12;
	s13 =	sadd.s32 @!p1 s4, s13  }
0x1e: {  	[tilespmem:s12], [sflag:$0x1] =	stream.strided.gather @!p1 [hbm4b:s13+s14], $0x800, s15, s14, $0x38;
	[tilespmem:$0x2020] =	vst v63  }
0x1f: {  	p1 =	sge.u32 s31, s6  }
.Ltmp2:
0x20: {  	_ = 	snop;
	(pc) =	sbr.rel @p1 .LBB1_5-.Ltmp2, $1  }
0x21: {  	_ =	sdelay $0x3  }
0x22: {  	s12 =	simm.s32 $0x1  }
0x23: {  	_ =	swait.ge [sflag:s5], $0x800;
	s12 =	simm.s32 @!p0 $0x0  }
0x24: {  	[sflag:s5] =	ssyncset.done $0x0;
	s13 =	sshll.u32 s12, $0xB  }
0x25: {  	[sflag:s5] =	ssyncadd.s32 $0xFFFFF800;
	s15 =	sor.u32 $0x40, s13  }
0x26: {  	v0 =	vld [tilespmem:s15+$0x30]  }
0x27: {  	s12 =	smul.u32 $0x2040, s12;
	v4 =	vld [tilespmem:s15+$0xFFFFFFD0]  }
0x28: {  	v5 =	vld [tilespmem:s15+$0xFFFFFFE0]  }
0x29: {  	s31 =	sand.u32 $0x1, s10;
	s12 =	sshrl.u32 s12, $0x2;
	v2 =	vld [tilespmem:s15+$0xFFFFFFF0]  }
0x2a: {  	s13 =	smul.u32 $0x2040, s31;
	v3 =	vld [tilespmem:s15+$0x0];
	s12 =	sor.u32 $0x1007, s12  }
0x2b: {  	v1 =	vld [tilespmem:s15+$0x10];
	[tilespmem:s12+$0x0 ss:$0x81] =	vst.msk $0xffff, v0  }
0x2c: {  	s13 =	sshrl.u32 s13, $0x2;
	[tilespmem:s12+$0xFFFFFFFA ss:$0x81] =	vst.msk $0xffff, v4;
	v4 =	vld [tilespmem:s15+$0x20]  }
0x2d: {  	s14 =	simm.s32 $0x0;
	s13 =	sor.u32 $0x1000, s13;
	v0 =	vld [tilespmem:s15+$0xFFFFFFC0];
	[tilespmem:s12+$0xFFFFFFFB ss:$0x81] =	vst.msk $0xffff, v5;
	s15 =	sadd.s32 $0x80, s15  }
.LBB1_3:
0x2e: {  	v5 =	vld [tilespmem:s15+$0x30];
	s14 =	sadd.s32 $0x8, s14;
	[tilespmem:s12+$0xFFFFFFFC ss:$0x81] =	vst.msk $0xffff, v2  }
0x2f: {  	v6 =	vld [tilespmem:s15+$0xFFFFFFD0];
	p1 =	slt.u32 s14, $0x78;
	[tilespmem:s12+$0xFFFFFFFD ss:$0x81] =	vst.msk $0xffff, v3  }
0x30: {  	v7 =	vld [tilespmem:s15+$0xFFFFFFE0];
	[tilespmem:s12+$0xFFFFFFFE ss:$0x81] =	vst.msk $0xffff, v1  }
.Ltmp3:
0x31: {  	v2 =	vld [tilespmem:s15+$0xFFFFFFF0];
	[tilespmem:s12+$0xFFFFFFFF ss:$0x81] =	vst.msk $0xffff, v4;
	(pc) =	sbr.rel @p1 .LBB1_3-.Ltmp3, $4  }
0x32: {  	v3 =	vld [tilespmem:s15+$0x0];
	[tilespmem:s12+$0xFFFFFFF9 ss:$0x81] =	vst.msk $0xffff, v0;
	s12 =	sadd.s32 $0x8, s12  }
0x33: {  	v1 =	vld [tilespmem:s15+$0x10];
	[tilespmem:s12+$0x0 ss:$0x81] =	vst.msk $0xffff, v5  }
0x34: {  	[tilespmem:s12+$0xFFFFFFFA ss:$0x81] =	vst.msk $0xffff, v6;
	v4 =	vld [tilespmem:s15+$0x20]  }
0x35: {  	v0 =	vld [tilespmem:s15+$0xFFFFFFC0];
	[tilespmem:s12+$0xFFFFFFFB ss:$0x81] =	vst.msk $0xffff, v7;
	s15 =	sadd.s32 $0x80, s15  }
.Ltmp4:
0x36: {  	_ = 	snop;
	(pc) =	sbr.rel .LBB1_4-.Ltmp4, $1  }
0x37: {  	_ =	sdelay $0x3  }
.LBB1_6:
0x38: {  	_ =	sfence.sel $0x180000  }
0x39: {  	s2 =	simm.s32 $0x1;
	[bflag:$0x0] =	sbarrier.arrive $0xFFFF  }
0x3a: {  	s31 =	simm.s32 $0x2;
	[sflag:s2] =	ssyncpa.u1 $0x1  }
0x3b: {  	[sflag:s31] =	ssyncpa.u1 $0x1  }
0x3c: {  	p0 =	sne.s32 s0, $0x0;
	_ =	strace $0x90000047  }
0x3d: {  	s0 =	sadd.s32 @!p0 $0x100000, s1;
	[bflag:$0x2] =	sbarrier.arrive $0xFFFF  }
0x3e: {  	[sflag:s0] =	ssyncadd.tile.s32 @!p0 $0x1;
	_ =	shalt  }
.Lfunc_end1:
_tile_overlayer_lowered:
.L_overlay_start_2:
0x3f: {  	(tag) =	ssettag $0x2  }
0x40: {  	s0 =	rddreg [dreg:$0x0];
	s2 =	stileid.u32  }
0x41: {  	s1 =	rddreg [dreg:$0x1];
	p0 =	sne.s32 s2, $0x0  }
0x42: {  	s3 =	rddreg [dreg:$0x2];
	[bflag:$0x3] =	sbarrier.arrive $0xFFFF;
	s2 =	simm.s32 @!p0 $0x1C01  }
0x43: {  	[timem:s3], [sflag:s2] =	dma.local @!p0 [hbm:s0], s1  }
0x44: {  	s0 =	simm.s32 @!p0 $0x1  }
0x45: {  	_ =	swait.ge @!p0 [sflag:s0], s1  }
0x46: {  	s1 =	ssub.s32 @!p0 $0x0, s1;
	[sflag:s0] =	ssyncset.done @!p0 $0x0  }
0x47: {  	[sflag:s0] =	ssyncadd.s32 @!p0 s1  }
0x48: {  	[bflag:$0x3] =	sbarrier.arrive $0xFFFF  }
0x49: {  	_ =	shalt  }

</sc_bundles>
